<compile_context>
chip_gen: v7x
topology: tpu7x:2x2x1
jax: 0.10.2.dev20260603
libtpu: 0.0.44.dev20260713+nightly
codegen_flags: <defaults>
</compile_context>

<pallas_src>
import functools

import jax
import jax.numpy as jnp
from jax import lax
from jax.experimental import pallas as pl
from jax.experimental.pallas import tpu as pltpu
from jax.experimental.pallas import tpu_sc as plsc

_B, _L = 16, 4096
_PAGE = 64
_P = _L // _PAGE
_LANES = 16
_TR, _TC = 8, 128
_NTR, _NTC = _B // _TR, _L // _TC
_NW = 32
_TILES_W = (_NTR * _NTC) // _NW
_PG_T = _TC // _PAGE
_NPAGES = _B * _P
_MEAN_W, _MAX_W = 0.7, 0.3
_NEG = -1e9


def _seg_body(mask_hbm, score_hbm, t2p_hbm, ps_hbm, pv_hbm,
              mask_v, score_v, t2p_v, ps_v, pv_v, in_sems, out_sems):
    wid = lax.axis_index("s") * 2 + lax.axis_index("c")

    lane = lax.iota(jnp.int32, _LANES)
    row_vec = lane >> 1
    pg_vec = lane & 1
    neg1 = jnp.full((_LANES,), -1, jnp.int32)
    zero_f = jnp.zeros((_LANES,), jnp.float32)
    one_i = jnp.full((_LANES,), 1, jnp.int32)
    zero_i = jnp.zeros((_LANES,), jnp.int32)
    m63 = jnp.full((_LANES,), _PAGE - 1, jnp.int32)
    col_base = pg_vec * _PAGE

    tr = wid // (_NW // _NTR)
    q = wid % (_NW // _NTR)
    r0 = tr * _TR
    c0 = q * (_TILES_W * _TC)
    in0 = pltpu.async_copy(
        mask_hbm.at[pl.ds(r0, _TR), pl.ds(c0, _TILES_W * _TC)],
        mask_v, in_sems.at[0])
    in1 = pltpu.async_copy(
        score_hbm.at[pl.ds(r0, _TR), pl.ds(c0, _TILES_W * _TC)],
        score_v, in_sems.at[1])
    in0.wait()
    in1.wait()

    for k in range(_TILES_W):
        tc = q * _TILES_W + k
        page_vec = pg_vec + tc * _PG_T
        tile_col = col_base + k * _TC

        def body(j, carry, tile_col=tile_col, page_vec=page_vec):
            s, mx, cnt = carry
            col = tile_col + ((lane + j) & m63)
            sc = plsc.load_gather(score_v, [row_vec, col])
            mk = plsc.load_gather(mask_v, [row_vec, col])
            valid = mk != 0
            plsc.store_scatter(t2p_v, [row_vec, col],
                               jnp.where(valid, page_vec, neg1))
            s = s + jnp.where(valid, sc, zero_f)
            mx = jnp.maximum(mx, jnp.where(valid, sc, _NEG))
            cnt = cnt + jnp.where(valid, one_i, zero_i)
            return (s, mx, cnt)

        s0 = jnp.zeros((_LANES,), jnp.float32)
        mx0 = jnp.full((_LANES,), _NEG, jnp.float32)
        c0i = jnp.zeros((_LANES,), jnp.int32)
        s, mx, cnt = lax.fori_loop(0, _PAGE, body, (s0, mx0, c0i))

        cntf = jnp.maximum(cnt, 1).astype(jnp.float32)
        raw = _MEAN_W * (s / cntf) + _MAX_W * mx
        valid_page = cnt > 0
        ps_v[pl.ds(k * _LANES, _LANES)] = jnp.where(valid_page, raw, zero_f)
        pv_v[pl.ds(k * _LANES, _LANES)] = jnp.where(valid_page, one_i, zero_i)

    out0 = pltpu.async_copy(
        t2p_v, t2p_hbm.at[pl.ds(r0, _TR), pl.ds(c0, _TILES_W * _TC)],
        out_sems.at[0])
    pltpu.sync_copy(ps_v, ps_hbm.at[pl.ds(wid * 2 * _LANES, 2 * _LANES)])
    pltpu.sync_copy(pv_v, pv_hbm.at[pl.ds(wid * 2 * _LANES, 2 * _LANES)])
    out0.wait()


@functools.lru_cache(maxsize=1)
def _build_seg_kernel():
    return functools.partial(
        pl.kernel,
        out_type=(
            jax.ShapeDtypeStruct((_B, _L), jnp.int32),
            jax.ShapeDtypeStruct((_NPAGES,), jnp.float32),
            jax.ShapeDtypeStruct((_NPAGES,), jnp.int32),
        ),
        mesh=plsc.VectorSubcoreMesh(core_axis_name="c", subcore_axis_name="s"),
        compiler_params=pltpu.CompilerParams(
            needs_layout_passes=False,
            disable_bounds_checks=True,
            disable_semaphore_checks=True,
            use_tc_tiling_on_sc=True,
        ),
        scratch_types=[
            pltpu.VMEM((_TR, _TILES_W * _TC), jnp.int32),
            pltpu.VMEM((_TR, _TILES_W * _TC), jnp.float32),
            pltpu.VMEM((_TR, _TILES_W * _TC), jnp.int32),
            pltpu.VMEM((2 * _LANES,), jnp.float32),
            pltpu.VMEM((2 * _LANES,), jnp.int32),
            pltpu.SemaphoreType.DMA((2,)),
            pltpu.SemaphoreType.DMA((1,)),
        ],
    )(_seg_body)


def _unpermute(flat):
    return (flat.reshape(_NTR, _NTC, _TR, _PG_T)
                .transpose(0, 2, 1, 3)
                .reshape(_B, _P))


def kernel(input_ids, attention_mask, token_scores):
    del input_ids
    t2p, ps, pv = _build_seg_kernel()(attention_mask, token_scores)
    return (_unpermute(ps), t2p, _unpermute(pv).astype(bool))

# --- scband reference (transcript-rebuilt; emitter-appended) ---
"""Pipeline reference for scband-segmenter-5944234738187 (READ-ONLY COPY).

The authoritative reference and input builder live on the scoring server;
editing this copy changes nothing except your own understanding.
"""

import jax, jax.numpy as jnp
import numpy as np

PAGE_SIZE = 64
MEAN_W = 0.7
MAX_W = 0.3
PAD_TOKEN_ID = 0


def setup_inputs(seed: int = 0) -> dict:
    key = jax.random.key(seed)
    k1, k2 = jax.random.split(key)
    B, L = 16, 4096
    input_ids = jax.random.randint(k1, (B, L), 0, 32000, dtype=jnp.int32)
    attention_mask = jnp.ones((B, L), dtype=jnp.int32)
    token_scores = jax.random.normal(k2, (B, L), dtype=jnp.float32)
    return {"input_ids": input_ids, "attention_mask": attention_mask, "token_scores": token_scores}


def reference(input_ids, attention_mask, token_scores):
    # Segmenter: build SegmentPageLayout (token2page, page_valid) and score
    # each page as identity_mean_weight*mean + identity_max_weight*max of
    # per-token importance scores (masked by attention_mask).
    B, L = input_ids.shape
    P = L // PAGE_SIZE
    token_valid = attention_mask.astype(bool)
    t2p = jnp.broadcast_to(jnp.arange(L, dtype=jnp.int32) // PAGE_SIZE, (B, L))
    token2page = jnp.where(token_valid, t2p, -1)
    tv = token_valid.reshape(B, P, PAGE_SIZE)
    page_valid = tv.any(axis=-1)
    sc = token_scores.reshape(B, P, PAGE_SIZE)
    sc_masked = jnp.where(tv, sc, 0.0)
    cnt = tv.sum(axis=-1)
    page_mean = sc_masked.sum(axis=-1) / jnp.maximum(cnt, 1).astype(jnp.float32)
    page_max = jnp.where(tv, sc, -1e9).max(axis=-1)
    raw = MEAN_W * page_mean + MAX_W * page_max
    page_score = jnp.where(page_valid, raw, 0.0)
    return page_score, token2page, page_valid

if __name__ == "__main__":
    import jax
    _d = setup_inputs()
    print(jax.jit(kernel)(*tuple(_d.values())))

</pallas_src>

<mosaic_0001>
#map = affine_map<(d0, d1) -> (0, 0)>
#map1 = affine_map<(d0, d1) -> (0)>
module attributes {stable_mosaic.version = 14 : i64} {
  func.func @_seg_body(%arg0: i32, %arg1: i32, %arg2: memref<16x4096xi32, #tpu.memory_space<hbm>>, %arg3: memref<16x4096xf32, #tpu.memory_space<hbm>>, %arg4: memref<16x4096xi32, #tpu.memory_space<hbm>>, %arg5: memref<1024xf32, #tpu.memory_space<hbm>>, %arg6: memref<1024xi32, #tpu.memory_space<hbm>>, %arg7: memref<8x256xi32, #tpu.memory_space<vmem>>, %arg8: memref<8x256xf32, #tpu.memory_space<vmem>>, %arg9: memref<8x256xi32, #tpu.memory_space<vmem>>, %arg10: memref<32xf32, #tpu.memory_space<vmem>>, %arg11: memref<32xi32, #tpu.memory_space<vmem>>, %arg12: memref<2x!tpu.dma_semaphore, #tpu.memory_space<semaphore_mem>>, %arg13: memref<1x!tpu.dma_semaphore, #tpu.memory_space<semaphore_mem>>) attributes {dimension_semantics = [#tpu.dimension_semantics<core_parallel>, #tpu.dimension_semantics<subcore_parallel>], iteration_bounds = array<i64: 2, 16>, scalar_prefetch = 0 : i64, scratch_operands = 7 : i64, tpu.core_type = #tpu.core_type<sc_vector_subcore>, window_params = [{transform_indices = #map}, {transform_indices = #map}, {transform_indices = #map}, {transform_indices = #map1}, {transform_indices = #map1}]} {
    %mul3A = arith.constant 2 : i32
    %mul3A_0 = arith.muli %arg1, %mul3A : i32
    %add3A = arith.addi %mul3A_0, %arg0 : i32
    %iota3A = tpu.iota {dimensions = array<i32: 0>} : vector<16xi32>
    %shift_right_arithmetic3A = arith.constant 1 : i32
    %shift_right_arithmetic3A_1 = vector.broadcast %shift_right_arithmetic3A : i32 to vector<16xi32>
    %shift_right_arithmetic3A_2 = arith.shrsi %iota3A, %shift_right_arithmetic3A_1 : vector<16xi32>
    %and3A = arith.constant 1 : i32
    %and3A_3 = vector.broadcast %and3A : i32 to vector<16xi32>
    %and3A_4 = arith.andi %iota3A, %and3A_3 : vector<16xi32>
    %broadcast_in_dim3A = arith.constant -1 : i32
    %broadcast_in_dim3A_5 = vector.broadcast %broadcast_in_dim3A : i32 to vector<16xi32>
    %broadcast_in_dim3A_6 = arith.constant 0.000000e+00 : f32
    %broadcast_in_dim3A_7 = vector.broadcast %broadcast_in_dim3A_6 : f32 to vector<16xf32>
    %broadcast_in_dim3A_8 = arith.constant 1 : i32
    %broadcast_in_dim3A_9 = vector.broadcast %broadcast_in_dim3A_8 : i32 to vector<16xi32>
    %broadcast_in_dim3A_10 = arith.constant 0 : i32
    %broadcast_in_dim3A_11 = vector.broadcast %broadcast_in_dim3A_10 : i32 to vector<16xi32>
    %broadcast_in_dim3A_12 = arith.constant 63 : i32
    %broadcast_in_dim3A_13 = vector.broadcast %broadcast_in_dim3A_12 : i32 to vector<16xi32>
    %mul3A_14 = arith.constant 64 : i32
    %mul3A_15 = vector.broadcast %mul3A_14 : i32 to vector<16xi32>
    %mul3A_16 = arith.muli %and3A_4, %mul3A_15 : vector<16xi32>
    %jit3A = arith.constant 16 : i32
    %div3A = arith.divsi %add3A, %jit3A : i32
    %sign3A = arith.constant 0 : i32
    %sign3A_17 = arith.cmpi sgt, %add3A, %sign3A : i32
    %sign3A_18 = arith.extui %sign3A_17 : i1 to i32
    %sign3A_19 = arith.constant 0 : i32
    %sign3A_20 = arith.cmpi slt, %add3A, %sign3A_19 : i32
    %sign3A_21 = arith.extui %sign3A_20 : i1 to i32
    %sign3A_22 = arith.subi %sign3A_18, %sign3A_21 : i32
    %sign3A_23 = arith.constant 0 : i32
    %sign3A_24 = arith.cmpi sgt, %jit3A, %sign3A_23 : i32
    %sign3A_25 = arith.extui %sign3A_24 : i1 to i32
    %sign3A_26 = arith.constant 0 : i32
    %sign3A_27 = arith.cmpi slt, %jit3A, %sign3A_26 : i32
    %sign3A_28 = arith.extui %sign3A_27 : i1 to i32
    %sign3A_29 = arith.subi %sign3A_25, %sign3A_28 : i32
    %ne3A = arith.cmpi ne, %sign3A_22, %sign3A_29 : i32
    %rem3A = arith.remsi %add3A, %jit3A : i32
    %ne3A_30 = arith.constant 0 : i32
    %ne3A_31 = arith.cmpi ne, %rem3A, %ne3A_30 : i32
    %and3A_32 = arith.andi %ne3A, %ne3A_31 : i1
    %sub3A = arith.constant 1 : i32
    %sub3A_33 = arith.subi %div3A, %sub3A : i32
    %select_n3A = arith.select %and3A_32, %sub3A_33, %div3A : i32
    %jit3A_34 = arith.constant 16 : i32
    %eq3A = arith.constant 0 : i32
    %eq3A_35 = arith.cmpi eq, %jit3A_34, %eq3A : i32
    %jit3A_36 = arith.constant 1 : i32
    %select_n3A_37 = arith.select %eq3A_35, %jit3A_36, %jit3A_34 : i32
    %rem3A_38 = arith.remsi %add3A, %select_n3A_37 : i32
    %ne3A_39 = arith.constant 0 : i32
    %ne3A_40 = arith.cmpi ne, %rem3A_38, %ne3A_39 : i32
    %lt3A = arith.constant 0 : i32
    %lt3A_41 = arith.cmpi slt, %rem3A_38, %lt3A : i32
    %lt3A_42 = arith.constant 0 : i32
    %lt3A_43 = arith.cmpi slt, %select_n3A_37, %lt3A_42 : i32
    %ne3A_44 = arith.xori %lt3A_41, %lt3A_43 : i1
    %and3A_45 = arith.andi %ne3A_44, %ne3A_40 : i1
    %add3A_46 = arith.addi %rem3A_38, %select_n3A_37 : i32
    %select_n3A_47 = arith.select %and3A_45, %add3A_46, %rem3A_38 : i32
    %mul3A_48 = arith.constant 8 : i32
    %mul3A_49 = arith.muli %select_n3A, %mul3A_48 : i32
    %mul3A_50 = arith.constant 256 : i32
    %mul3A_51 = arith.muli %select_n3A_47, %mul3A_50 : i32
    %dma_start3A = arith.constant 0 : i32
    %dma_start3A_52 = tpu.memref_slice %arg2[%mul3A_49, %mul3A_51] : memref<16x4096xi32, #tpu.memory_space<hbm>> -> memref<8x256xi32, #tpu.memory_space<hbm>>
    %dma_start3A_53 = tpu.memref_slice %arg12[%dma_start3A] : memref<2x!tpu.dma_semaphore, #tpu.memory_space<semaphore_mem>> -> memref<1x!tpu.dma_semaphore, #tpu.memory_space<semaphore_mem>>
    %dma_start3A_54 = tpu.memref_squeeze %dma_start3A_53 : memref<1x!tpu.dma_semaphore, #tpu.memory_space<semaphore_mem>> -> memref<!tpu.dma_semaphore, #tpu.memory_space<semaphore_mem>>
    %dma_start3A_55 = tpu.memref_slice %arg2[%mul3A_49, %mul3A_51] : memref<16x4096xi32, #tpu.memory_space<hbm>> -> memref<8x256xi32, #tpu.memory_space<hbm>>
    tpu.enqueue_dma source(%dma_start3A_55 : memref<8x256xi32, #tpu.memory_space<hbm>>) target(%arg7 : memref<8x256xi32, #tpu.memory_space<vmem>>) target_semaphore(%dma_start3A_54 : memref<!tpu.dma_semaphore, #tpu.memory_space<semaphore_mem>>)
    %dma_start3A_56 = arith.constant 1 : i32
    %dma_start3A_57 = tpu.memref_slice %arg3[%mul3A_49, %mul3A_51] : memref<16x4096xf32, #tpu.memory_space<hbm>> -> memref<8x256xf32, #tpu.memory_space<hbm>>
    %dma_start3A_58 = tpu.memref_slice %arg12[%dma_start3A_56] : memref<2x!tpu.dma_semaphore, #tpu.memory_space<semaphore_mem>> -> memref<1x!tpu.dma_semaphore, #tpu.memory_space<semaphore_mem>>
    %dma_start3A_59 = tpu.memref_squeeze %dma_start3A_58 : memref<1x!tpu.dma_semaphore, #tpu.memory_space<semaphore_mem>> -> memref<!tpu.dma_semaphore, #tpu.memory_space<semaphore_mem>>
    %dma_start3A_60 = tpu.memref_slice %arg3[%mul3A_49, %mul3A_51] : memref<16x4096xf32, #tpu.memory_space<hbm>> -> memref<8x256xf32, #tpu.memory_space<hbm>>
    tpu.enqueue_dma source(%dma_start3A_60 : memref<8x256xf32, #tpu.memory_space<hbm>>) target(%arg8 : memref<8x256xf32, #tpu.memory_space<vmem>>) target_semaphore(%dma_start3A_59 : memref<!tpu.dma_semaphore, #tpu.memory_space<semaphore_mem>>)
    %dma_wait3A = arith.constant 0 : i32
    %dma_wait3A_61 = tpu.memref_slice %arg2[%mul3A_49, %mul3A_51] : memref<16x4096xi32, #tpu.memory_space<hbm>> -> memref<8x256xi32, #tpu.memory_space<hbm>>
    %dma_wait3A_62 = tpu.memref_slice %arg12[%dma_wait3A] : memref<2x!tpu.dma_semaphore, #tpu.memory_space<semaphore_mem>> -> memref<1x!tpu.dma_semaphore, #tpu.memory_space<semaphore_mem>>
    %dma_wait3A_63 = tpu.memref_squeeze %dma_wait3A_62 : memref<1x!tpu.dma_semaphore, #tpu.memory_space<semaphore_mem>> -> memref<!tpu.dma_semaphore, #tpu.memory_space<semaphore_mem>>
    %dma_wait3A_64 = tpu.memref_slice %arg2[%mul3A_49, %mul3A_51] : memref<16x4096xi32, #tpu.memory_space<hbm>> -> memref<8x256xi32, #tpu.memory_space<hbm>>
    tpu.wait_dma2 semaphore(%dma_wait3A_63 : memref<!tpu.dma_semaphore, #tpu.memory_space<semaphore_mem>>) src(%dma_wait3A_64 : memref<8x256xi32, #tpu.memory_space<hbm>>) dst(%arg7 : memref<8x256xi32, #tpu.memory_space<vmem>>)
    %dma_wait3A_65 = arith.constant 1 : i32
    %dma_wait3A_66 = tpu.memref_slice %arg3[%mul3A_49, %mul3A_51] : memref<16x4096xf32, #tpu.memory_space<hbm>> -> memref<8x256xf32, #tpu.memory_space<hbm>>
    %dma_wait3A_67 = tpu.memref_slice %arg12[%dma_wait3A_65] : memref<2x!tpu.dma_semaphore, #tpu.memory_space<semaphore_mem>> -> memref<1x!tpu.dma_semaphore, #tpu.memory_space<semaphore_mem>>
    %dma_wait3A_68 = tpu.memref_squeeze %dma_wait3A_67 : memref<1x!tpu.dma_semaphore, #tpu.memory_space<semaphore_mem>> -> memref<!tpu.dma_semaphore, #tpu.memory_space<semaphore_mem>>
    %dma_wait3A_69 = tpu.memref_slice %arg3[%mul3A_49, %mul3A_51] : memref<16x4096xf32, #tpu.memory_space<hbm>> -> memref<8x256xf32, #tpu.memory_space<hbm>>
    tpu.wait_dma2 semaphore(%dma_wait3A_68 : memref<!tpu.dma_semaphore, #tpu.memory_space<semaphore_mem>>) src(%dma_wait3A_69 : memref<8x256xf32, #tpu.memory_space<hbm>>) dst(%arg8 : memref<8x256xf32, #tpu.memory_space<vmem>>)
    %mul3A_70 = arith.constant 2 : i32
    %mul3A_71 = arith.muli %select_n3A_47, %mul3A_70 : i32
    %add3A_72 = arith.constant 0 : i32
    %add3A_73 = arith.addi %mul3A_71, %add3A_72 : i32
    %mul3A_74 = arith.constant 2 : i32
    %mul3A_75 = arith.muli %add3A_73, %mul3A_74 : i32
    %add3A_76 = vector.broadcast %mul3A_75 : i32 to vector<16xi32>
    %add3A_77 = arith.addi %and3A_4, %add3A_76 : vector<16xi32>
    %add3A_78 = arith.constant 0 : i32
    %add3A_79 = vector.broadcast %add3A_78 : i32 to vector<16xi32>
    %add3A_80 = arith.addi %mul3A_16, %add3A_79 : vector<16xi32>
    %broadcast_in_dim3A_81 = arith.constant 0.000000e+00 : f32
    %broadcast_in_dim3A_82 = vector.broadcast %broadcast_in_dim3A_81 : f32 to vector<16xf32>
    %broadcast_in_dim3A_83 = arith.constant -1.000000e+09 : f32
    %broadcast_in_dim3A_84 = vector.broadcast %broadcast_in_dim3A_83 : f32 to vector<16xf32>
    %broadcast_in_dim3A_85 = arith.constant 0 : i32
    %broadcast_in_dim3A_86 = vector.broadcast %broadcast_in_dim3A_85 : i32 to vector<16xi32>
    %scan3A = arith.constant 0 : i32
    %scan3A_87 = arith.constant 64 : i32
    %scan3A_88 = arith.addi %scan3A, %scan3A_87 : i32
    %scan3A_89 = arith.constant 1 : i32
    %scan3A_90:3 = scf.for %scan3A_171 = %scan3A to %scan3A_88 step %scan3A_89 iter_args(%scan3A_172 = %broadcast_in_dim3A_82, %scan3A_173 = %broadcast_in_dim3A_84, %scan3A_174 = %broadcast_in_dim3A_86) -> (vector<16xf32>, vector<16xf32>, vector<16xi32>)  : i32 {
      %add3A_175 = vector.broadcast %scan3A_171 : i32 to vector<16xi32>
      %add3A_176 = arith.addi %iota3A, %add3A_175 : vector<16xi32>
      %and3A_177 = arith.andi %add3A_176, %broadcast_in_dim3A_13 : vector<16xi32>
      %add3A_178 = arith.addi %add3A_80, %and3A_177 : vector<16xi32>
      %gather3A = tpu.vector_load_idx %arg8[%shift_right_arithmetic3A_2, %add3A_178] : memref<8x256xf32, #tpu.memory_space<vmem>>[vector<16xi32>, vector<16xi32>], vector<16xf32>,
      %gather3A_179 = tpu.vector_load_idx %arg7[%shift_right_arithmetic3A_2, %add3A_178] : memref<8x256xi32, #tpu.memory_space<vmem>>[vector<16xi32>, vector<16xi32>], vector<16xi32>,
      %ne3A_180 = arith.constant 0 : i32
      %ne3A_181 = vector.broadcast %ne3A_180 : i32 to vector<16xi32>
      %ne3A_182 = arith.cmpi ne, %gather3A_179, %ne3A_181 : vector<16xi32>
      %select_n3A_183 = arith.select %ne3A_182, %add3A_77, %broadcast_in_dim3A_5 : vector<16xi1>, vector<16xi32>
      tpu.vector_store_idx %arg9[%shift_right_arithmetic3A_2, %add3A_178], %select_n3A_183 : memref<8x256xi32, #tpu.memory_space<vmem>>[vector<16xi32>, vector<16xi32>], vector<16xi32>,
      %select_n3A_184 = arith.select %ne3A_182, %gather3A, %broadcast_in_dim3A_7 : vector<16xi1>, vector<16xf32>
      %add3A_185 = arith.addf %scan3A_172, %select_n3A_184 : vector<16xf32>
      %jit3A_186 = arith.constant -1.000000e+09 : f32
      %broadcast_in_dim3A_187 = vector.broadcast %jit3A_186 : f32 to vector<16xf32>
      %select_n3A_188 = arith.select %ne3A_182, %gather3A, %broadcast_in_dim3A_187 : vector<16xi1>, vector<16xf32>
      %max3A_189 = arith.maximumf %scan3A_173, %select_n3A_188 : vector<16xf32>
      %select_n3A_190 = arith.select %ne3A_182, %broadcast_in_dim3A_9, %broadcast_in_dim3A_11 : vector<16xi1>, vector<16xi32>
      %add3A_191 = arith.addi %scan3A_174, %select_n3A_190 : vector<16xi32>
      scf.yield %add3A_185, %max3A_189, %add3A_191 : vector<16xf32>, vector<16xf32>, vector<16xi32>
    }
    %scan3A_91 = arith.constant 64 : i32
    %max3A = arith.constant 1 : i32
    %max3A_92 = vector.broadcast %max3A : i32 to vector<16xi32>
    %max3A_93 = arith.maxsi %scan3A_90#2, %max3A_92 : vector<16xi32>
    %convert_element_type3A = arith.sitofp %max3A_93 : vector<16xi32> to vector<16xf32>
    %div3A_94 = arith.divf %scan3A_90#0, %convert_element_type3A : vector<16xf32>
    %mul3A_95 = arith.constant 0.699999988 : f32
    %mul3A_96 = vector.broadcast %mul3A_95 : f32 to vector<16xf32>
    %mul3A_97 = arith.mulf %mul3A_96, %div3A_94 : vector<16xf32>
    %mul3A_98 = arith.constant 3.000000e-01 : f32
    %mul3A_99 = vector.broadcast %mul3A_98 : f32 to vector<16xf32>
    %mul3A_100 = arith.mulf %mul3A_99, %scan3A_90#1 : vector<16xf32>
    %add3A_101 = arith.addf %mul3A_97, %mul3A_100 : vector<16xf32>
    %gt3A = arith.constant 0 : i32
    %gt3A_102 = vector.broadcast %gt3A : i32 to vector<16xi32>
    %gt3A_103 = arith.cmpi sgt, %scan3A_90#2, %gt3A_102 : vector<16xi32>
    %select_n3A_104 = arith.select %gt3A_103, %add3A_101, %broadcast_in_dim3A_7 : vector<16xi1>, vector<16xf32>
    %swap3A = arith.constant 0 : index
    %swap3A_105 = tpu.vector_load %arg10[%swap3A] {strides = array<i32>} : memref<32xf32, #tpu.memory_space<vmem>>, vector<16xf32>,
    tpu.vector_store %arg10[%swap3A], %select_n3A_104 {strides = array<i32>} : memref<32xf32, #tpu.memory_space<vmem>>, vector<16xf32>,
    %select_n3A_106 = arith.select %gt3A_103, %broadcast_in_dim3A_9, %broadcast_in_dim3A_11 : vector<16xi1>, vector<16xi32>
    %swap3A_107 = arith.constant 0 : index
    %swap3A_108 = tpu.vector_load %arg11[%swap3A_107] {strides = array<i32>} : memref<32xi32, #tpu.memory_space<vmem>>, vector<16xi32>,
    tpu.vector_store %arg11[%swap3A_107], %select_n3A_106 {strides = array<i32>} : memref<32xi32, #tpu.memory_space<vmem>>, vector<16xi32>,
    %mul3A_109 = arith.constant 2 : i32
    %mul3A_110 = arith.muli %select_n3A_47, %mul3A_109 : i32
    %add3A_111 = arith.constant 1 : i32
    %add3A_112 = arith.addi %mul3A_110, %add3A_111 : i32
    %mul3A_113 = arith.constant 2 : i32
    %mul3A_114 = arith.muli %add3A_112, %mul3A_113 : i32
    %add3A_115 = vector.broadcast %mul3A_114 : i32 to vector<16xi32>
    %add3A_116 = arith.addi %and3A_4, %add3A_115 : vector<16xi32>
    %add3A_117 = arith.constant 128 : i32
    %add3A_118 = vector.broadcast %add3A_117 : i32 to vector<16xi32>
    %add3A_119 = arith.addi %mul3A_16, %add3A_118 : vector<16xi32>
    %broadcast_in_dim3A_120 = arith.constant 0.000000e+00 : f32
    %broadcast_in_dim3A_121 = vector.broadcast %broadcast_in_dim3A_120 : f32 to vector<16xf32>
    %broadcast_in_dim3A_122 = arith.constant -1.000000e+09 : f32
    %broadcast_in_dim3A_123 = vector.broadcast %broadcast_in_dim3A_122 : f32 to vector<16xf32>
    %broadcast_in_dim3A_124 = arith.constant 0 : i32
    %broadcast_in_dim3A_125 = vector.broadcast %broadcast_in_dim3A_124 : i32 to vector<16xi32>
    %scan3A_126 = arith.constant 0 : i32
    %scan3A_127 = arith.constant 64 : i32
    %scan3A_128 = arith.addi %scan3A_126, %scan3A_127 : i32
    %scan3A_129 = arith.constant 1 : i32
    %scan3A_130:3 = scf.for %scan3A_171 = %scan3A_126 to %scan3A_128 step %scan3A_129 iter_args(%scan3A_172 = %broadcast_in_dim3A_121, %scan3A_173 = %broadcast_in_dim3A_123, %scan3A_174 = %broadcast_in_dim3A_125) -> (vector<16xf32>, vector<16xf32>, vector<16xi32>)  : i32 {
      %add3A_175 = vector.broadcast %scan3A_171 : i32 to vector<16xi32>
      %add3A_176 = arith.addi %iota3A, %add3A_175 : vector<16xi32>
      %and3A_177 = arith.andi %add3A_176, %broadcast_in_dim3A_13 : vector<16xi32>
      %add3A_178 = arith.addi %add3A_119, %and3A_177 : vector<16xi32>
      %gather3A = tpu.vector_load_idx %arg8[%shift_right_arithmetic3A_2, %add3A_178] : memref<8x256xf32, #tpu.memory_space<vmem>>[vector<16xi32>, vector<16xi32>], vector<16xf32>,
      %gather3A_179 = tpu.vector_load_idx %arg7[%shift_right_arithmetic3A_2, %add3A_178] : memref<8x256xi32, #tpu.memory_space<vmem>>[vector<16xi32>, vector<16xi32>], vector<16xi32>,
      %ne3A_180 = arith.constant 0 : i32
      %ne3A_181 = vector.broadcast %ne3A_180 : i32 to vector<16xi32>
      %ne3A_182 = arith.cmpi ne, %gather3A_179, %ne3A_181 : vector<16xi32>
      %select_n3A_183 = arith.select %ne3A_182, %add3A_116, %broadcast_in_dim3A_5 : vector<16xi1>, vector<16xi32>
      tpu.vector_store_idx %arg9[%shift_right_arithmetic3A_2, %add3A_178], %select_n3A_183 : memref<8x256xi32, #tpu.memory_space<vmem>>[vector<16xi32>, vector<16xi32>], vector<16xi32>,
      %select_n3A_184 = arith.select %ne3A_182, %gather3A, %broadcast_in_dim3A_7 : vector<16xi1>, vector<16xf32>
      %add3A_185 = arith.addf %scan3A_172, %select_n3A_184 : vector<16xf32>
      %jit3A_186 = arith.constant -1.000000e+09 : f32
      %broadcast_in_dim3A_187 = vector.broadcast %jit3A_186 : f32 to vector<16xf32>
      %select_n3A_188 = arith.select %ne3A_182, %gather3A, %broadcast_in_dim3A_187 : vector<16xi1>, vector<16xf32>
      %max3A_189 = arith.maximumf %scan3A_173, %select_n3A_188 : vector<16xf32>
      %select_n3A_190 = arith.select %ne3A_182, %broadcast_in_dim3A_9, %broadcast_in_dim3A_11 : vector<16xi1>, vector<16xi32>
      %add3A_191 = arith.addi %scan3A_174, %select_n3A_190 : vector<16xi32>
      scf.yield %add3A_185, %max3A_189, %add3A_191 : vector<16xf32>, vector<16xf32>, vector<16xi32>
    }
    %scan3A_131 = arith.constant 64 : i32
    %max3A_132 = arith.constant 1 : i32
    %max3A_133 = vector.broadcast %max3A_132 : i32 to vector<16xi32>
    %max3A_134 = arith.maxsi %scan3A_130#2, %max3A_133 : vector<16xi32>
    %convert_element_type3A_135 = arith.sitofp %max3A_134 : vector<16xi32> to vector<16xf32>
    %div3A_136 = arith.divf %scan3A_130#0, %convert_element_type3A_135 : vector<16xf32>
    %mul3A_137 = arith.constant 0.699999988 : f32
    %mul3A_138 = vector.broadcast %mul3A_137 : f32 to vector<16xf32>
    %mul3A_139 = arith.mulf %mul3A_138, %div3A_136 : vector<16xf32>
    %mul3A_140 = arith.constant 3.000000e-01 : f32
    %mul3A_141 = vector.broadcast %mul3A_140 : f32 to vector<16xf32>
    %mul3A_142 = arith.mulf %mul3A_141, %scan3A_130#1 : vector<16xf32>
    %add3A_143 = arith.addf %mul3A_139, %mul3A_142 : vector<16xf32>
    %gt3A_144 = arith.constant 0 : i32
    %gt3A_145 = vector.broadcast %gt3A_144 : i32 to vector<16xi32>
    %gt3A_146 = arith.cmpi sgt, %scan3A_130#2, %gt3A_145 : vector<16xi32>
    %select_n3A_147 = arith.select %gt3A_146, %add3A_143, %broadcast_in_dim3A_7 : vector<16xi1>, vector<16xf32>
    %swap3A_148 = arith.constant 16 : index
    %swap3A_149 = tpu.vector_load %arg10[%swap3A_148] {strides = array<i32>} : memref<32xf32, #tpu.memory_space<vmem>>, vector<16xf32>,
    tpu.vector_store %arg10[%swap3A_148], %select_n3A_147 {strides = array<i32>} : memref<32xf32, #tpu.memory_space<vmem>>, vector<16xf32>,
    %select_n3A_150 = arith.select %gt3A_146, %broadcast_in_dim3A_9, %broadcast_in_dim3A_11 : vector<16xi1>, vector<16xi32>
    %swap3A_151 = arith.constant 16 : index
    %swap3A_152 = tpu.vector_load %arg11[%swap3A_151] {strides = array<i32>} : memref<32xi32, #tpu.memory_space<vmem>>, vector<16xi32>,
    tpu.vector_store %arg11[%swap3A_151], %select_n3A_150 {strides = array<i32>} : memref<32xi32, #tpu.memory_space<vmem>>, vector<16xi32>,
    %dma_start3A_153 = arith.constant 0 : i32
    %dma_start3A_154 = tpu.memref_slice %arg4[%mul3A_49, %mul3A_51] : memref<16x4096xi32, #tpu.memory_space<hbm>> -> memref<8x256xi32, #tpu.memory_space<hbm>>
    %dma_start3A_155 = tpu.memref_slice %arg13[%dma_start3A_153] : memref<1x!tpu.dma_semaphore, #tpu.memory_space<semaphore_mem>> -> memref<1x!tpu.dma_semaphore, #tpu.memory_space<semaphore_mem>>
    %dma_start3A_156 = tpu.memref_squeeze %dma_start3A_155 : memref<1x!tpu.dma_semaphore, #tpu.memory_space<semaphore_mem>> -> memref<!tpu.dma_semaphore, #tpu.memory_space<semaphore_mem>>
    %dma_start3A_157 = tpu.memref_slice %arg4[%mul3A_49, %mul3A_51] : memref<16x4096xi32, #tpu.memory_space<hbm>> -> memref<8x256xi32, #tpu.memory_space<hbm>>
    tpu.enqueue_dma source(%arg9 : memref<8x256xi32, #tpu.memory_space<vmem>>) target(%dma_start3A_157 : memref<8x256xi32, #tpu.memory_space<hbm>>) target_semaphore(%dma_start3A_156 : memref<!tpu.dma_semaphore, #tpu.memory_space<semaphore_mem>>)
    %mul3A_158 = arith.constant 2 : i32
    %mul3A_159 = arith.muli %add3A, %mul3A_158 : i32
    %mul3A_160 = arith.constant 16 : i32
    %mul3A_161 = arith.muli %mul3A_159, %mul3A_160 : i32
    "tpu.region"() ({
      %run_scoped3A = tpu.sem_alloc : memref<!tpu.dma_semaphore, #tpu.memory_space<semaphore_mem>>
      %dma_start3A_171 = tpu.memref_slice %arg5[%mul3A_161] : memref<1024xf32, #tpu.memory_space<hbm>> -> memref<32xf32, #tpu.memory_space<hbm>>
      %dma_start3A_172 = tpu.memref_slice %arg5[%mul3A_161] : memref<1024xf32, #tpu.memory_space<hbm>> -> memref<32xf32, #tpu.memory_space<hbm>>
      tpu.enqueue_dma source(%arg10 : memref<32xf32, #tpu.memory_space<vmem>>) target(%dma_start3A_172 : memref<32xf32, #tpu.memory_space<hbm>>) target_semaphore(%run_scoped3A : memref<!tpu.dma_semaphore, #tpu.memory_space<semaphore_mem>>)
      %dma_wait3A_173 = tpu.memref_slice %arg5[%mul3A_161] : memref<1024xf32, #tpu.memory_space<hbm>> -> memref<32xf32, #tpu.memory_space<hbm>>
      %dma_wait3A_174 = tpu.memref_slice %arg5[%mul3A_161] : memref<1024xf32, #tpu.memory_space<hbm>> -> memref<32xf32, #tpu.memory_space<hbm>>
      tpu.wait_dma2 semaphore(%run_scoped3A : memref<!tpu.dma_semaphore, #tpu.memory_space<semaphore_mem>>) src(%arg10 : memref<32xf32, #tpu.memory_space<vmem>>) dst(%dma_wait3A_174 : memref<32xf32, #tpu.memory_space<hbm>>)
      tpu.yield
    }) : () -> ()
    %mul3A_162 = arith.constant 2 : i32
    %mul3A_163 = arith.muli %add3A, %mul3A_162 : i32
    %mul3A_164 = arith.constant 16 : i32
    %mul3A_165 = arith.muli %mul3A_163, %mul3A_164 : i32
    "tpu.region"() ({
      %run_scoped3A = tpu.sem_alloc : memref<!tpu.dma_semaphore, #tpu.memory_space<semaphore_mem>>
      %dma_start3A_171 = tpu.memref_slice %arg6[%mul3A_165] : memref<1024xi32, #tpu.memory_space<hbm>> -> memref<32xi32, #tpu.memory_space<hbm>>
      %dma_start3A_172 = tpu.memref_slice %arg6[%mul3A_165] : memref<1024xi32, #tpu.memory_space<hbm>> -> memref<32xi32, #tpu.memory_space<hbm>>
      tpu.enqueue_dma source(%arg11 : memref<32xi32, #tpu.memory_space<vmem>>) target(%dma_start3A_172 : memref<32xi32, #tpu.memory_space<hbm>>) target_semaphore(%run_scoped3A : memref<!tpu.dma_semaphore, #tpu.memory_space<semaphore_mem>>)
      %dma_wait3A_173 = tpu.memref_slice %arg6[%mul3A_165] : memref<1024xi32, #tpu.memory_space<hbm>> -> memref<32xi32, #tpu.memory_space<hbm>>
      %dma_wait3A_174 = tpu.memref_slice %arg6[%mul3A_165] : memref<1024xi32, #tpu.memory_space<hbm>> -> memref<32xi32, #tpu.memory_space<hbm>>
      tpu.wait_dma2 semaphore(%run_scoped3A : memref<!tpu.dma_semaphore, #tpu.memory_space<semaphore_mem>>) src(%arg11 : memref<32xi32, #tpu.memory_space<vmem>>) dst(%dma_wait3A_174 : memref<32xi32, #tpu.memory_space<hbm>>)
      tpu.yield
    }) : () -> ()
    %dma_wait3A_166 = arith.constant 0 : i32
    %dma_wait3A_167 = tpu.memref_slice %arg4[%mul3A_49, %mul3A_51] : memref<16x4096xi32, #tpu.memory_space<hbm>> -> memref<8x256xi32, #tpu.memory_space<hbm>>
    %dma_wait3A_168 = tpu.memref_slice %arg13[%dma_wait3A_166] : memref<1x!tpu.dma_semaphore, #tpu.memory_space<semaphore_mem>> -> memref<1x!tpu.dma_semaphore, #tpu.memory_space<semaphore_mem>>
    %dma_wait3A_169 = tpu.memref_squeeze %dma_wait3A_168 : memref<1x!tpu.dma_semaphore, #tpu.memory_space<semaphore_mem>> -> memref<!tpu.dma_semaphore, #tpu.memory_space<semaphore_mem>>
    %dma_wait3A_170 = tpu.memref_slice %arg4[%mul3A_49, %mul3A_51] : memref<16x4096xi32, #tpu.memory_space<hbm>> -> memref<8x256xi32, #tpu.memory_space<hbm>>
    tpu.wait_dma2 semaphore(%dma_wait3A_169 : memref<!tpu.dma_semaphore, #tpu.memory_space<semaphore_mem>>) src(%arg9 : memref<8x256xi32, #tpu.memory_space<vmem>>) dst(%dma_wait3A_170 : memref<8x256xi32, #tpu.memory_space<hbm>>)
    return
  }
}

</mosaic_0001>

<sc_bundles>
// kernel: kernel.3.cloned.1.call-start
scs
__scs_entry_jumppad:
0x0: {  	(pc) =	sbr.rel $0x88, $3  }
0x1: {  	(tag) =	ssettag $0x0;
	lr =	simm.s32 $0x1  }
0x2: {  	[smem:$0x3F9F] =	sst lr;
	_ =	strace $0xD0000000  }
0x3: {  	_ = 	snop  }
0x4: {  	_ = 	snop  }
0x5: {  	_ = 	snop  }
0x6: {  	_ = 	snop  }
0x7: {  	_ = 	snop  }
__scs_overlays_trampoline_lowered:
0x8: {  	[smem:$0x3FAE] =	sst s0  }
0x9: {  	[smem:$0x3FAF] =	sst s1  }
0xa: {  	[smem:$0x3FB0] =	sst s2  }
0xb: {  	[smem:$0x3FB1] =	sst s3  }
0xc: {  	[smem:$0x3FB2] =	sst s4  }
0xd: {  	[smem:$0x3FB3] =	sst s5  }
0xe: {  	[smem:$0x3FB4] =	sst s6  }
0xf: {  	[smem:$0x3FB5] =	sst s7  }
0x10: {  	[smem:$0x3FB6] =	sst s8  }
0x11: {  	[smem:$0x3FB7] =	sst s9;
	s0 =	simm.s32 @!p0 $0x0  }
0x12: {  	s1 =	sld [smem:$0x3F9D];
	s0 =	simm.s32 @p0 $0x1  }
0x13: {  	[smem:$0x3FB8] =	sst s0;
	s0 =	simm.s32 @!p1 $0x0  }
0x14: {  	s2 =	sld [smem:$0x3F9C];
	s0 =	simm.s32 @p1 $0x1  }
0x15: {  	[smem:$0x3FB9] =	sst s0;
	s0 =	simm.s32 @!p2 $0x0  }
0x16: {  	s3 =	sld [smem:$0x3FDB];
	s0 =	simm.s32 @p2 $0x1  }
0x17: {  	s4 =	simm.s32 $0x1BF5;
	[smem:$0x3FBB] =	sst s0  }
0x18: {  	s0 =	sld [smem:$0x3F9E];
	_ =	swait.ge [sflag:s4], $0x0  }
0x19: {  	s7 =	sld [smem:$0x3F9F]  }
0x1a: {  	s8 =	sadd.s32 $0xFFFFE003, lr  }
0x1b: {  	s9 =	sadd.s32 $0xFFFFFEF7, lr;
	s5 =	simm.s32 $0xFFFFFFFF;
	p2 =	slt.u32 s8, $0xFFFFF086  }
0x1c: {  	p1 =	slt.u32 s9, $0xF7A;
	s5 =	simm.s32 @!p2 $0x0  }
0x1d: {  	s5 =	simm.s32 @p1 $0x1;
	p0 =	seq.s32 s7, s2  }
0x1e: {  	s7 =	smul.u32 @!p0 $0xF7A, s2;
	p2 =	seq.s32 @!p0 s5, $0x0  }
0x1f: {  	s9 =	smul.u32 $0xF7A, s1;
	s8 =	simm.s32 @!p0 $0x1BF5;
	p2 =	por !p2, p0  }
0x20: {  	[sflag:s8] =	ssyncset.s32 @!p0 $0xFFFFF086;
	s6 =	sadd.s32 @!p0 s3, s7;
	s7 =	simm.s32 @!p0 $0x108  }
0x21: {  	s3 =	sadd.s32 s3, s9;
	s6 =	sadd.s32 @!p0 $0x88, s6;
	s7 =	simm.s32 @p2 $0x1082  }
0x22: {  	[simem:s7], [sflag:s8] =	dma.local @!p0 [hbm:s6], $0xF7A  }
0x23: {  	s9 =	sor.u32 $0xD0000000, s2;
	s6 =	simm.s32 $0x108;
	_ =	swait.ge @!p0 [sflag:s8], $0x0  }
0x24: {  	s3 =	sadd.s32 $0x88, s3;
	s6 =	simm.s32 @!p1 $0x1082;
	[sflag:s4] =	ssyncset.s32 $0xFFFFF086  }
0x25: {  	[simem:s6], [sflag:s4] =	dma.local [hbm:s3], $0xF7A  }
0x26: {  	[smem:$0x3F9F] =	sst s1;
	(tag) =	ssettag s2;
	_ =	strace s9  }
0x27: {  	s1 =	sld [smem:$0x3FAF]  }
0x28: {  	s2 =	sld [smem:$0x3FB0]  }
0x29: {  	s4 =	sld [smem:$0x3FB2]  }
0x2a: {  	p0 =	seq.s32 s5, $0x0;
	s5 =	sld [smem:$0x3FB3]  }
0x2b: {  	s6 =	sld [smem:$0x3FB4]  }
0x2c: {  	s7 =	sld [smem:$0x3FB5]  }
0x2d: {  	s3 =	simm.s32 $0x108;
	s8 =	sld [smem:$0x3FB6]  }
0x2e: {  	s3 =	simm.s32 @!p0 $0x1082;
	s9 =	sld [smem:$0x3FB7]  }
0x2f: {  	lr =	sadd.s32 s0, s3;
	s0 =	sld [smem:$0x3FAE]  }
0x30: {  	s3 =	sld [smem:$0x3FB1]  }
0x31: {  	[smem:$0x3FBA] =	sst s10  }
0x32: {  	s10 =	sld [smem:$0x3FB8];
	_ =	sdelay $0x3  }
0x33: {  	p0 =	seq.s32 s10, $0x1;
	s10 =	sld [smem:$0x3FBA];
	_ =	sdelay $0x3  }
0x34: {  	[smem:$0x3FBA] =	sst s10  }
0x35: {  	s10 =	sld [smem:$0x3FB9];
	_ =	sdelay $0x3  }
0x36: {  	p1 =	seq.s32 s10, $0x1;
	s10 =	sld [smem:$0x3FBA];
	_ =	sdelay $0x3  }
0x37: {  	[smem:$0x3FBA] =	sst s10  }
0x38: {  	s10 =	sld [smem:$0x3FBB]  }
0x39: {  	_ = 	snop;
	(pc) =	sbr.ind lr, $3  }
0x3a: {  	_ = 	snop  }
0x3b: {  	_ = 	snop  }
0x3c: {  	p2 =	seq.s32 s10, $0x1;
	s10 =	sld [smem:$0x3FBA]  }
0x3d: {  	_ =	shalt  }
0x3e: {  	_ =	shalt  }
0x3f: {  	_ =	shalt  }
0x40: {  	_ =	shalt  }
0x41: {  	_ =	shalt  }
0x42: {  	_ =	shalt  }
0x43: {  	_ =	shalt  }
0x44: {  	_ =	shalt  }
0x45: {  	_ =	shalt  }
0x46: {  	_ =	shalt  }
0x47: {  	_ =	shalt  }
0x48: {  	_ =	shalt  }
0x49: {  	_ =	shalt  }
0x4a: {  	_ =	shalt  }
0x4b: {  	_ =	shalt  }
0x4c: {  	_ =	shalt  }
0x4d: {  	_ =	shalt  }
0x4e: {  	_ =	shalt  }
0x4f: {  	_ =	shalt  }
0x50: {  	_ =	shalt  }
0x51: {  	_ =	shalt  }
0x52: {  	_ =	shalt  }
0x53: {  	_ =	shalt  }
0x54: {  	_ =	shalt  }
0x55: {  	_ =	shalt  }
0x56: {  	_ =	shalt  }
0x57: {  	_ =	shalt  }
0x58: {  	_ =	shalt  }
0x59: {  	_ =	shalt  }
0x5a: {  	_ =	shalt  }
0x5b: {  	_ =	shalt  }
0x5c: {  	_ =	shalt  }
0x5d: {  	_ =	shalt  }
0x5e: {  	_ =	shalt  }
0x5f: {  	_ =	shalt  }
0x60: {  	_ =	shalt  }
0x61: {  	_ =	shalt  }
0x62: {  	_ =	shalt  }
0x63: {  	_ =	shalt  }
0x64: {  	_ =	shalt  }
0x65: {  	_ =	shalt  }
0x66: {  	_ =	shalt  }
0x67: {  	_ =	shalt  }
0x68: {  	_ =	shalt  }
0x69: {  	_ =	shalt  }
0x6a: {  	_ =	shalt  }
0x6b: {  	_ =	shalt  }
0x6c: {  	_ =	shalt  }
0x6d: {  	_ =	shalt  }
0x6e: {  	_ =	shalt  }
0x6f: {  	_ =	shalt  }
0x70: {  	_ =	shalt  }
0x71: {  	_ =	shalt  }
0x72: {  	_ =	shalt  }
0x73: {  	_ =	shalt  }
0x74: {  	_ =	shalt  }
0x75: {  	_ =	shalt  }
0x76: {  	_ =	shalt  }
0x77: {  	_ =	shalt  }
0x78: {  	_ =	shalt  }
0x79: {  	_ =	shalt  }
0x7a: {  	_ =	shalt  }
0x7b: {  	_ =	shalt  }
0x7c: {  	_ =	shalt  }
0x7d: {  	_ =	shalt  }
0x7e: {  	_ =	shalt  }
0x7f: {  	_ =	shalt  }
0x80: {  	_ =	shalt  }
0x81: {  	_ =	shalt  }
0x82: {  	_ =	shalt  }
0x83: {  	_ =	shalt  }
0x84: {  	_ =	shalt  }
0x85: {  	_ =	shalt  }
0x86: {  	_ =	shalt  }
0x87: {  	_ =	shalt  }
.Lfunc_end0:
.L_simem_size_0:
called_computation_lowered:
.L_overlay_start_0:
0x88: {  	s2 =	sld [smem:$0x3FD9]  }
0x89: {  	s3 =	sld [smem:$0x3FFE];
	_ =	sdelay $0x1  }
0x8a: {  	s1 =	srdreg.scid  }
0x8b: {  	s0 =	sand.u32 $0x1, s1  }
0x8c: {  	s14 =	sshll.u32 s0, $0xA;
	s2 =	sadd.s32 s3, s2  }
0x8d: {  	s2 =	sadd.s32 s2, s14  }
0x8e: {  	[smem:$0x3FC6] =	sst s2  }
0x8f: {  	_ = 	snop  }
0x90: {  	s2 =	sld [smem:$0x3FD0];
	_ =	sdelay $0x1  }
0x91: {  	s15 =	sld [smem:$0x3FC9]  }
0x92: {  	s5 =	simm.s32 $0xA;
	s6 =	simm.s32 $0x10;
	s4 =	sld [smem:$0x3FC8]  }
0x93: {  	[smem:s6], [sflag:s5] =	dma.local [hbm:s2], $0x1  }
0x94: {  	_ =	swait.eq [sflag:s5], $0x1  }
0x95: {  	[sflag:s5] =	ssyncset.done $0x0  }
0x96: {  	s16 =	sld [smem:$0x10];
	[sflag:s5] =	ssyncadd.s32 $0xFFFFFFFF  }
0x97: {  	s17 =	sld [smem:$0x11];
	(tm) =	ssettm $0x1  }
0x98: {  	s18 =	sld [smem:$0x3FFB];
	_ =	sdelay $0x3  }
0x99: {  	_ =	strace s18  }
0x9a: {  	s6 =	sld [smem:$0x3FFC];
	_ =	sdelay $0x3  }
0x9b: {  	_ =	strace s6  }
0x9c: {  	s6 =	sld [smem:$0x3FFD];
	_ =	sdelay $0x3  }
0x9d: {  	_ =	strace s6  }
0x9e: {  	_ =	strace $0x8FFFFFFF  }
0x9f: {  	s19 =	sld [smem:$0x3FDB];
	_ =	sdelay $0x1  }
0xa0: {  	s7 =	simm.s32 $_scs_section_size  }
0xa1: {  	s8 =	simm.s32 $_size__tile_overlayer_lowered;
	s9 =	simm.s32 $_tile_overlayer_lowered  }
0xa2: {  	s22 =	simm.s32 $0x1BFF;
	s21 =	sshll.u32 s9, $0x1;
	s6 =	sadd.s32 s7, s19  }
0xa3: {  	s10 =	simm.s32 $0x0;
	s20 =	sshll.u32 s8, $0x1;
	s8 =	sadd.s32 s21, s6  }
0xa4: {  	[timem:s10], [sflag:s22] =	dma.local [hbm:s8], s20  }
0xa5: {  	_ =	swait.ge [sflag:s22], s20  }
0xa6: {  	s7 =	ssub.s32 $0x0, s20;
	[sflag:s22] =	ssyncset.done $0x0  }
0xa7: {  	[sflag:s22] =	ssyncadd.s32 s7;
	_ =	sdelay $0x1  }
0xa8: {  	s23 =	simm.s32 $0x1B8B  }
0xa9: {  	_ =	swait.ge [sflag:s23], $0x1  }
0xaa: {  	[sflag:s23] =	ssyncset.done $0x0  }
0xab: {  	s25 =	simm.s32 $0x1B8E;
	s24 =	sld [smem:$0x3FFE];
	[sflag:s23] =	ssyncadd.s32 $0xFFFFFFFF  }
0xac: {  	s26 =	simm.s32 $execute0_lowered;
	[smem:$0x3FD2] =	sst s25  }
0xad: {  	s8 =	sshll.u32 s26, $0x1;
	_ =	strace $0x80000046;
	[dreg:$0x1] =	wrdreg $0xFFFFFFFF  }
0xae: {  	s28 =	simm.s32 $_size_execute0_lowered;
	s6 =	sadd.s32 s6, s8;
	[dreg:$0x0] =	wrdreg $0x0  }
0xaf: {  	s8 =	sshll.u32 s28, $0x1;
	[dreg:$0x2] =	wrdreg s6  }
0xb0: {  	[dreg:$0x3] =	wrdreg s8  }
0xb1: {  	[dreg:$0x4] =	wrdreg $0xC0  }
0xb2: {  	_ =	task [dreg:s10], $0x5FFFF  }
0xb3: {  	[dreg:$0x1] =	wrdreg $0xFFFFFFFF  }
0xb4: {  	[dreg:$0x0] =	wrdreg $0x60  }
0xb5: {  	[dreg:$0x2] =	wrdreg s15  }
0xb6: {  	[dreg:$0x3] =	wrdreg s4  }
0xb7: {  	[dreg:$0x4] =	wrdreg s17  }
0xb8: {  	[dreg:$0x5] =	wrdreg s16  }
0xb9: {  	[dreg:$0x6] =	wrdreg s24  }
0xba: {  	[dreg:$0x7] =	wrdreg $0x9  }
0xbb: {  	_ =	task.clear_ibuf [dreg:s10], $0x8FFFF;
	_ =	strace $0x90000046  }
0xbc: {  	s29 =	simm.s32 $0x9;
	_ =	strace $0x80000048  }
0xbd: {  	_ =	swait.ge [sflag:s29], $0x1  }
0xbe: {  	[sflag:s29] =	ssyncadd.s32 $0xFFFFFFFF  }
0xbf: {  	_ =	strace $0x90000048  }
0xc0: {  	_ =	sfence  }
0xc1: {  	s30 =	sld [smem:$0x0];
	_ =	sdelay $0x2  }
0xc2: {  	s31 =	sshll.u32 s1, $0xD;
	s1 =	sshrl.u32 s1, $0x2  }
0xc3: {  	s3 =	sand.u32 $0x4000, s31;
	s1 =	sadd.s32 s1, s30  }
0xc4: {  	s0 =	sor.u32 s3, s0;
	s1 =	sshll.u32 s1, $0x11  }
0xc5: {  	s0 =	sor.u32 s1, s0  }
0xc6: {  	s0 =	sadd.s32 $0x8F2B, s0  }
0xc7: {  	[sflag:s0] =	ssyncadd.remote.s32 $0x1  }
0xc8: {  	_ =	sfence.sel $0xFFFF  }
0xc9: {  	[dreg:$0x0] =	wrdreg $0xFFFFFFFF;
	(pc) =	sbr.abs _section_cstart, $3  }
0xca: {  	[dreg:$0x1] =	wrdreg $0xFFFFFFFF  }
0xcb: {  	_ =	task.clear_ibuf [dreg:s10], $0x2FFFF;
	_ =	strace $0x9FFFFFFF  }
0xcc: {  	(tm) =	ssettm $0x7FFFFFFF  }
0xcd: {  	_ =	shalt  }
tec
execute0_lowered:
.L_overlay_start_1:
0x0: {  	(tag) =	ssettag $0x1  }
0x1: {  	s3 =	rddreg [dreg:$0x0]  }
0x2: {  	s4 =	rddreg [dreg:$0x1]  }
0x3: {  	s5 =	rddreg [dreg:$0x2]  }
0x4: {  	s6 =	rddreg [dreg:$0x3]  }
0x5: {  	s7 =	rddreg [dreg:$0x4]  }
0x6: {  	s0 =	rddreg [dreg:$0x5];
	s2 =	simm.s32 $0x0;
	s8 =	srdreg.scid  }
0x7: {  	s1 =	stileid.u32;
	s14 =	simm.s32 $0x4;
	s16 =	simm.s32 $0x3  }
0x8: {  	s17 =	simm.s32 $0x0;
	[smem:$0x7FF] =	sst s2;
	s8 =	sand.u32 $0x1, s8  }
0x9: {  	s9 =	sshll.u32 s1, $0x1;
	s11 =	sshll.u32 s1, $0x9;
	_ =	strace $0x80000047  }
0xa: {  	s9 =	sor.u32 s8, s9;
	s8 =	ssub.s32 $0x2, s8;
	s11 =	sand.u32 $0x1000, s11  }
0xb: {  	s10 =	sshll.u32 s9, $0x2;
	s9 =	sand.u32 $0xF, s9;
	s13 =	sshrl.u32 s8, $0x1  }
0xc: {  	s12 =	sshll.u32 s9, $0x8;
	s7 =	sadd.s32 s10, s7;
	s8 =	ssub.s32 s8, s13  }
0xd: {  	s31 =	sshll.u32 s9, $0x2;
	s6 =	sadd.s32 s6, s10;
	s9 =	simm.s32 $0x800  }
0xe: {  	v0 =	vlaneseq.u32;
	s10 =	simm.s32 $0x1;
	s13 =	simm.s32 $0x1800;
	s11 =	sor.u32 s11, s12  }
0xf: {  	v1 =	vmul.u32 $0x40, v0;
	s15 =	sor.u32 $0x2, s31;
	s7 =	sadd.s32 $0xA00, s7;
	s8 =	smax.u32 s8, $0x1  }
0x10: {  	v4 =	vimm.s32 $0x0;
	v3 =	vand.u32 $0x1, v0;
	s12 =	simm.s32 $0x1000;
	s3 =	sadd.s32 s3, s11;
	s4 =	sadd.s32 s4, s11  }
0x11: {  	v5 =	vor.u32 $0x400, v1;
	v2 =	vor.u32 s31, v3;
	s5 =	sadd.s32 s5, s11;
	s11 =	simm.s32 $0x2;
	v3 =	vor.u32 s15, v3;
	s15 =	simm.s32 $0x1880  }
.LBB2_1:
0x12: {  	[tilespmem:s2], [sflag:$0x1] =	stream.linear.gather [hbm4b:s3+s2], $0x800, $0x38;
	[tilespmem:$0x1900] =	vst v63  }
0x13: {  	_ = 	snop  }
0x14: {  	v6 =	vadd.s32 s2, v0;
	[tilespmem:s9], [sflag:$0x2] =	stream.linear.gather [hbm4b:s4+s2], $0x800, $0x38;
	[tilespmem:$0x1900] =	vst v63  }
0x15: {  	v6 =	vand.u32 $0x3F, v6;
	_ =	swait.ge [sflag:s10], $0x800  }
0x16: {  	v6 =	vor.u32 v1, v6;
	[sflag:s10] =	ssyncset.done $0x0  }
0x17: {  	[sflag:s10] =	ssyncadd.s32 $0xFFFFF800  }
0x18: {  	_ =	swait.ge [sflag:s11], $0x800  }
0x19: {  	[sflag:s11] =	ssyncset.done $0x0  }
0x1a: {  	[sflag:s11] =	ssyncadd.s32 $0xFFFFF800  }
0x1b: {  	s18 =	simm.s32 $0x1;
	v7 =	vld.idx.msk [tilespmem:v6+s2+$0x0], $0xffff  }
0x1c: {  	v8 =	vadd.s32 s18, v0  }
0x1d: {  	v8 =	vand.u32 $0x3F, v8  }
0x1e: {  	v9 =	vor.u32 v1, v8;
	_ =	sdelay $0x1  }
0x1f: {  	vm0 =	vne.s32 v7, $0x0  }
0x20: {  	v10 =	vnsel vm0, $0xFFFFFFFF, v2  }
0x21: {  	v8 =	vld.idx.msk [tilespmem:v6+s9+$0x0], $0xffff;
	v11 =	vsel vm0, $0x1, v4;
	[tilespmem:v6+s12+$0x0] =	vst.idx.msk $0xffff, v10  }
0x22: {  	s31 =	simm.s32 $0x2;
	v10 =	vadd.s32 v11, v4;
	v11 =	vld.idx.msk [tilespmem:v9+s2+$0x0], $0xffff  }
0x23: {  	v12 =	vadd.s32 s31, v0;
	s18 =	simm.s32 $0x3;
	v7 =	vimm.f32 $0.0e+00;
	v6 =	vimm.f32 $-1.000000000e+09  }
.LBB2_2:
0x24: {  	p0 =	sne.s32 s18, $0x3F;
	v12 =	vand.u32 $0x3F, v12  }
0x25: {  	v12 =	vor.u32 v1, v12  }
0x26: {  	v13 =	vnsel vm0, $0x0, v8;
	v8 =	vnsel vm0, $0xCE6E6B28, v8  }
0x27: {  	vm0 =	vne.s32 v11, $0x0;
	v7 =	vadd.f32 v13, v7;
	v6 =	vmax.f32 v6, v8  }
.Ltmp0:
0x28: {  	v11 =	vnsel vm0, $0xFFFFFFFF, v2;
	v13 =	vsel vm0, $0x1, v4;
	(pc) =	sbr.rel @p0 .LBB2_2-.Ltmp0, $3  }
0x29: {  	v10 =	vadd.s32 v13, v10;
	v8 =	vld.idx.msk [tilespmem:v9+s9+$0x0], $0xffff;
	[tilespmem:v9+s12+$0x0] =	vst.idx.msk $0xffff, v11;
	v9 =	vmov v12  }
0x2a: {  	v11 =	vld.idx.msk [tilespmem:v12+s2+$0x0], $0xffff;
	_ =	sdelay $0x1  }
0x2b: {  	v12 =	vadd.s32 s18, v0;
	s18 =	sadd.s32 $0x1, s18  }
0x2c: {  	v12 =	vand.u32 $0x3F, v12  }
0x2d: {  	v12 =	vor.u32 v1, v12;
	_ =	sdelay $0x1  }
0x2e: {  	vm1 =	vne.s32 v11, $0x0  }
0x2f: {  	v11 =	vnsel vm1, $0xFFFFFFFF, v2  }
0x30: {  	v13 =	vld.idx.msk [tilespmem:v9+s9+$0x0], $0xffff;
	[tilespmem:v9+s12+$0x0] =	vst.idx.msk $0xffff, v11  }
0x31: {  	v9 =	vld.idx.msk [tilespmem:v12+s2+$0x0], $0xffff;
	_ =	sdelay $0x4  }
0x32: {  	v11 =	vsel vm1, $0x1, v4;
	vm2 =	vne.s32 v9, $0x0  }
0x33: {  	v9 =	vadd.s32 v11, v10;
	v10 =	vsel vm2, $0x1, v4  }
0x34: {  	v9 =	vadd.s32 v10, v9  }
0x35: {  	vm3 =	vgt.s32 v9, $0x1  }
0x36: {  	v10 =	vnsel vm3, $0x1, v9  }
0x37: {  	v10 =	vcvt.s32.f32 v10;
	_ =	sdelay $0x1  }
0x38: {  	(erf) = vrcp.f32 v10;
	_ =	sdelay $0x1  }
0x39: {  	v10 =	vld.idx.msk [tilespmem:v12+s9+$0x0], $0xffff  }
0x3a: {  	v11 =	vnsel vm0, $0x0, v8  }
0x3b: {  	v7 =	vadd.f32 v11, v7  }
0x3c: {  	v11 =	vnsel vm1, $0x0, v13  }
0x3d: {  	v8 =	vnsel vm0, $0xCE6E6B28, v8;
	v7 =	vadd.f32 v11, v7  }
0x3e: {  	v11 =	vnsel vm2, $0x0, v10  }
0x3f: {  	v7 =	vadd.f32 v11, v7  }
0x40: {  	v6 =	vmax.f32 v6, v8;
	v11 =	vnsel vm1, $0xCE6E6B28, v13;
	v8 =	vpop (erf)  }
0x41: {  	v10 =	vnsel vm2, $0xCE6E6B28, v10;
	v6 =	vmax.f32 v6, v11;
	v7 =	vmul.f32 v8, v7  }
0x42: {  	s18 =	simm.s32 $0x0;
	v6 =	vmax.f32 v6, v10  }
0x43: {  	v6 =	vmul.f32 $3.000000120e-01, v6;
	v8 =	vadd.s32 s18, v0;
	v7 =	vmul.f32 $6.999999880e-01, v7  }
0x44: {  	v8 =	vand.u32 $0x3F, v8  }
0x45: {  	v10 =	vor.u32 v5, v8;
	v6 =	vadd.f32 v7, v6  }
0x46: {  	vm0 =	vgt.s32 v9, $0x0;
	v7 =	vnsel vm2, $0xFFFFFFFF, v2  }
0x47: {  	[tilespmem:v12+s12+$0x0] =	vst.idx.msk $0xffff, v7;
	v6 =	vnsel vm0, $0x0, v6  }
0x48: {  	[tilespmem:$0x1800] =	vst v6;
	v6 =	vsel vm0, $0x1, v4  }
0x49: {  	[tilespmem:$0x1880] =	vst v6  }
0x4a: {  	s30 =	simm.s32 $0x1;
	v6 =	vld.idx.msk [tilespmem:v10+s2+$0x0], $0xffff  }
0x4b: {  	v7 =	vadd.s32 s30, v0  }
0x4c: {  	v7 =	vand.u32 $0x3F, v7  }
0x4d: {  	v9 =	vor.u32 v5, v7;
	_ =	sdelay $0x1  }
0x4e: {  	vm0 =	vne.s32 v6, $0x0  }
0x4f: {  	v6 =	vnsel vm0, $0xFFFFFFFF, v3  }
0x50: {  	v11 =	vimm.s32 $0x0;
	v8 =	vld.idx.msk [tilespmem:v10+s9+$0x0], $0xffff;
	v12 =	vsel vm0, $0x1, v4;
	[tilespmem:v10+s12+$0x0] =	vst.idx.msk $0xffff, v6  }
0x51: {  	s31 =	simm.s32 $0x2;
	v10 =	vadd.s32 v12, v11;
	v11 =	vld.idx.msk [tilespmem:v9+s2+$0x0], $0xffff  }
0x52: {  	s18 =	simm.s32 $0x3;
	v7 =	vimm.f32 $0.0e+00;
	v6 =	vimm.f32 $-1.000000000e+09;
	v12 =	vadd.s32 s31, v0  }
.LBB2_4:
0x53: {  	p0 =	sne.s32 s18, $0x3F;
	v12 =	vand.u32 $0x3F, v12  }
0x54: {  	v12 =	vor.u32 v5, v12  }
0x55: {  	v13 =	vnsel vm0, $0x0, v8;
	v8 =	vnsel vm0, $0xCE6E6B28, v8  }
0x56: {  	vm0 =	vne.s32 v11, $0x0;
	v7 =	vadd.f32 v13, v7;
	v6 =	vmax.f32 v6, v8  }
.Ltmp1:
0x57: {  	v11 =	vnsel vm0, $0xFFFFFFFF, v3;
	v13 =	vsel vm0, $0x1, v4;
	(pc) =	sbr.rel @p0 .LBB2_4-.Ltmp1, $3  }
0x58: {  	v10 =	vadd.s32 v13, v10;
	v8 =	vld.idx.msk [tilespmem:v9+s9+$0x0], $0xffff;
	[tilespmem:v9+s12+$0x0] =	vst.idx.msk $0xffff, v11;
	v9 =	vmov v12  }
0x59: {  	v11 =	vld.idx.msk [tilespmem:v12+s2+$0x0], $0xffff;
	_ =	sdelay $0x1  }
0x5a: {  	v12 =	vadd.s32 s18, v0;
	s18 =	sadd.s32 $0x1, s18  }
0x5b: {  	v12 =	vand.u32 $0x3F, v12  }
0x5c: {  	v12 =	vor.u32 v5, v12;
	_ =	sdelay $0x1  }
0x5d: {  	vm1 =	vne.s32 v11, $0x0  }
0x5e: {  	v11 =	vnsel vm1, $0xFFFFFFFF, v3  }
0x5f: {  	v13 =	vld.idx.msk [tilespmem:v9+s9+$0x0], $0xffff;
	[tilespmem:v9+s12+$0x0] =	vst.idx.msk $0xffff, v11  }
0x60: {  	v9 =	vld.idx.msk [tilespmem:v12+s2+$0x0], $0xffff;
	_ =	sdelay $0x4  }
0x61: {  	v54 =	vsel vm1, $0x1, v4;
	vm2 =	vne.s32 v9, $0x0  }
0x62: {  	v55 =	vadd.s32 v54, v10;
	v56 =	vsel vm2, $0x1, v4  }
0x63: {  	v9 =	vadd.s32 v56, v55  }
0x64: {  	vm3 =	vgt.s32 v9, $0x1  }
0x65: {  	v10 =	vnsel vm3, $0x1, v9  }
0x66: {  	v10 =	vcvt.s32.f32 v10;
	_ =	sdelay $0x1  }
0x67: {  	(erf) = vrcp.f32 v10;
	_ =	sdelay $0x1  }
0x68: {  	v57 =	vld.idx.msk [tilespmem:v12+s9+$0x0], $0xffff  }
0x69: {  	v58 =	vnsel vm0, $0x0, v8  }
0x6a: {  	v7 =	vadd.f32 v58, v7  }
0x6b: {  	v59 =	vnsel vm1, $0x0, v13  }
0x6c: {  	v7 =	vadd.f32 v59, v7  }
0x6d: {  	v60 =	vnsel vm2, $0x0, v57  }
0x6e: {  	v61 =	vnsel vm0, $0xCE6E6B28, v8;
	v7 =	vadd.f32 v60, v7  }
0x6f: {  	v6 =	vmax.f32 v6, v61;
	v62 =	vnsel vm1, $0xCE6E6B28, v13;
	v63 =	vpop (erf)  }
0x70: {  	v6 =	vmax.f32 v6, v62;
	v10 =	vnsel vm2, $0xCE6E6B28, v57;
	v7 =	vmul.f32 v63, v7  }
0x71: {  	v6 =	vmax.f32 v6, v10  }
0x72: {  	v6 =	vmul.f32 $3.000000120e-01, v6;
	v7 =	vmul.f32 $6.999999880e-01, v7;
	_ =	sdelay $0x1  }
0x73: {  	v6 =	vadd.f32 v7, v6  }
0x74: {  	vm15 =	vgt.s32 v9, $0x0;
	v7 =	vnsel vm2, $0xFFFFFFFF, v3  }
0x75: {  	[tilespmem:v12+s12+$0x0] =	vst.idx.msk $0xffff, v7;
	v6 =	vnsel vm15, $0x0, v6  }
0x76: {  	[tilespmem:$0x1810] =	vst v6;
	v6 =	vsel vm15, $0x1, v4  }
0x77: {  	[tilespmem:$0x1890] =	vst v6  }
0x78: {  	[hbm4b:s5+s2] =	stream.linear.scatter [tilespmem:s12], [sflag:$0x3], $0x800, $0x38;
	[tilespmem:$0x1900] =	vst v63  }
0x79: {  	_ = 	snop  }
0x7a: {  	[hbm4b:s6+s2] =	stream.linear.scatter [tilespmem:s13], [sflag:$0x4], $0x20, $0x38;
	[tilespmem:$0x1900] =	vst v63  }
0x7b: {  	_ =	swait.ge [sflag:s14], $0x20  }
0x7c: {  	[sflag:s14] =	ssyncset.done $0x0  }
0x7d: {  	s17 =	sadd.s32 $0x1, s17;
	[sflag:s14] =	ssyncadd.s32 $0xFFFFFFE0  }
0x7e: {  	[hbm4b:s7+s2] =	stream.linear.scatter [tilespmem:s15], [sflag:$0x4], $0x20, $0x38;
	[tilespmem:$0x1900] =	vst v63  }
0x7f: {  	p0 =	sne.s32 s17, s8;
	_ =	swait.ge [sflag:s14], $0x20  }
.Ltmp2:
0x80: {  	[sflag:s14] =	ssyncset.done $0x0;
	(pc) =	sbr.rel @p0 .LBB2_1-.Ltmp2, $4  }
0x81: {  	[sflag:s14] =	ssyncadd.s32 $0xFFFFFFE0  }
0x82: {  	_ =	swait.ge [sflag:s16], $0x800  }
0x83: {  	[sflag:s16] =	ssyncset.done $0x0  }
0x84: {  	[sflag:s16] =	ssyncadd.s32 $0xFFFFF800  }
0x85: {  	_ =	sfence.sel $0x180000  }
0x86: {  	[bflag:$0x0] =	sbarrier.arrive $0xFFFF  }
0x87: {  	p0 =	sne.s32 s1, $0x0;
	_ =	strace $0x90000047  }
0x88: {  	s0 =	sadd.s32 @!p0 $0x100000, s0;
	[bflag:$0x2] =	sbarrier.arrive $0xFFFF  }
0x89: {  	[sflag:s0] =	ssyncadd.tile.s32 @!p0 $0x1;
	_ =	shalt  }
.Lfunc_end2:
_tile_overlayer_lowered:
.L_overlay_start_2:
0x8a: {  	(tag) =	ssettag $0x2  }
0x8b: {  	s0 =	rddreg [dreg:$0x0];
	s2 =	stileid.u32  }
0x8c: {  	s1 =	rddreg [dreg:$0x1];
	p0 =	sne.s32 s2, $0x0  }
0x8d: {  	s3 =	rddreg [dreg:$0x2];
	[bflag:$0x3] =	sbarrier.arrive $0xFFFF;
	s2 =	simm.s32 @!p0 $0x1C04  }
0x8e: {  	[timem:s3], [sflag:s2] =	dma.local @!p0 [hbm:s0], s1  }
0x8f: {  	s0 =	simm.s32 @!p0 $0x4  }
0x90: {  	_ =	swait.ge @!p0 [sflag:s0], s1  }
0x91: {  	s1 =	ssub.s32 @!p0 $0x0, s1;
	[sflag:s0] =	ssyncset.done @!p0 $0x0  }
0x92: {  	[sflag:s0] =	ssyncadd.s32 @!p0 s1  }
0x93: {  	[bflag:$0x3] =	sbarrier.arrive $0xFFFF  }
0x94: {  	_ =	shalt  }

</sc_bundles>
